<compile_context>
chip_gen: v7x
topology: tpu7x:2x2x1
jax: 0.10.2.dev20260603
libtpu: 0.0.44.dev20260713+nightly
codegen_flags: <defaults>
</compile_context>

<pallas_src>
import functools

import jax
import jax.numpy as jnp
from jax import lax
from jax.experimental import pallas as pl
from jax.experimental.pallas import tpu as pltpu
import jax.experimental.pallas.tpu_sc as plsc

N_NODES = 10000
DIM = 128
N_EDGES = 320000

NC = 2
NS = 16
NW = NC * NS
K = 128
C = 80
E_PAD = NW * C * K
N_PAD = 10240
RPT = N_PAD // NS
PCH = 2



def _sc_mesh():
    return plsc.VectorSubcoreMesh(
        core_axis_name="c", subcore_axis_name="s", num_cores=NC,
        num_subcores=NS)


_DEG_FIRE = 8


def _deg_body(zeros_hbm, ones_hbm, dst_hbm, out_hbm, dstb, onev, accd, sem):
    c = lax.axis_index("c")
    s = lax.axis_index("s")
    wid = s * NC + c
    pltpu.sync_copy(dst_hbm.at[wid], dstb)
    pltpu.sync_copy(ones_hbm, onev)
    pltpu.sync_copy(zeros_hbm.at[pl.ds(s * RPT, RPT)],
                    accd.at[pl.ds(s * RPT, RPT)])
    plsc.subcore_barrier()

    def body(g, carry):
        for b in range(_DEG_FIRE):
            pltpu.async_copy(onev, accd.at[dstb.at[g * _DEG_FIRE + b]], sem,
                             add=True)
        for b in range(_DEG_FIRE):
            pltpu.make_async_copy(onev, accd.at[dstb.at[g * _DEG_FIRE + b]],
                                  sem).wait()
        return carry

    lax.fori_loop(0, C // _DEG_FIRE, body, 0)
    plsc.subcore_barrier()
    pltpu.sync_copy(accd.at[pl.ds(s * RPT, RPT)],
                    out_hbm.at[pl.ds(c * N_PAD + s * RPT, RPT)])


@jax.jit
def _sc_degree(zeros_n, ones_k, dstp):
    return pl.kernel(
        _deg_body,
        out_type=jax.ShapeDtypeStruct((NC * N_PAD,), jnp.float32),
        mesh=_sc_mesh(),
        scratch_types=[
            pltpu.VMEM((C + PCH, K), jnp.int32),
            pltpu.VMEM((K,), jnp.float32),
            pltpu.VMEM_SHARED((N_PAD,), jnp.float32),
            pltpu.SemaphoreType.DMA,
        ],
    )(zeros_n, ones_k, dstp)


def _scatter_body(table_hbm, src_hbm, dst_hbm, out_hbm,
                  srcv, dstv, rows, acc, gsem, isem):
    c = lax.axis_index("c")
    s = lax.axis_index("s")
    wid = s * NC + c

    def idx_start(j, par):
        pltpu.async_copy(src_hbm.at[wid, j], srcv.at[par], isem)
        pltpu.async_copy(dst_hbm.at[wid, j], dstv.at[par], isem)

    def idx_wait(j, par):
        pltpu.make_async_copy(src_hbm.at[wid, j], srcv.at[par], isem).wait()
        pltpu.make_async_copy(dst_hbm.at[wid, j], dstv.at[par], isem).wait()

    idx_start(0, 0)
    pltpu.sync_copy(table_hbm.at[pl.ds(s * RPT, RPT)],
                    acc.at[pl.ds(s * RPT, RPT)])
    plsc.subcore_barrier()

    idx_wait(0, 0)
    pltpu.async_copy(table_hbm.at[srcv.at[0]], rows.at[0], gsem)
    idx_start(1, 1)

    def body(jj, carry):
        for par in (0, 1):
            j = jj * 2 + par
            npar = 1 - par
            pltpu.make_async_copy(table_hbm.at[srcv.at[par]],
                                  rows.at[par], gsem).wait()
            idx_wait(j + 1, npar)
            pltpu.async_copy(table_hbm.at[srcv.at[npar]],
                             rows.at[npar], gsem)
            pltpu.sync_copy(rows.at[par], acc.at[dstv.at[par]], add=True)
            idx_start(j + 2, par)
        return carry

    lax.fori_loop(0, C // 2, body, 0)
    pltpu.make_async_copy(table_hbm.at[srcv.at[0]], rows.at[0], gsem).wait()
    idx_wait(C + 1, 1)
    plsc.subcore_barrier()
    pltpu.sync_copy(acc.at[pl.ds(s * RPT, RPT)],
                    out_hbm.at[pl.ds(c * N_PAD + s * RPT, RPT)])


@jax.jit
def _sc_scatter(table, srcp, dstp):
    return pl.kernel(
        _scatter_body,
        out_type=jax.ShapeDtypeStruct((NC * N_PAD, DIM), jnp.float32),
        mesh=_sc_mesh(),
        scratch_types=[
            pltpu.VMEM((2, K), jnp.int32),
            pltpu.VMEM((2, K), jnp.int32),
            pltpu.VMEM((2, K, DIM), jnp.float32),
            pltpu.VMEM_SHARED((N_PAD, DIM), jnp.float32),
            pltpu.SemaphoreType.DMA,
            pltpu.SemaphoreType.DMA,
        ],
    )(table, srcp, dstp)



BN = 1024


def _tc_norm_mm_body(deg_ref, x_ref, w_ref, norm_ref, hw_ref):
    deg = deg_ref[0, :] + deg_ref[1, :] + 1.0
    nrm = lax.rsqrt(deg)
    norm_ref[...] = nrm
    hw_ref[...] = jnp.dot(x_ref[...] * nrm[:, None], w_ref[...],
                          preferred_element_type=jnp.float32)


@jax.jit
def _tc_norm_mm(degp, x, w):
    grid = (N_PAD // BN,)
    return pl.pallas_call(
        _tc_norm_mm_body,
        grid=grid,
        in_specs=[
            pl.BlockSpec((2, BN), lambda i: (0, i)),
            pl.BlockSpec((BN, DIM), lambda i: (i, 0)),
            pl.BlockSpec((DIM, DIM), lambda i: (0, 0)),
        ],
        out_specs=[
            pl.BlockSpec((BN,), lambda i: (i,)),
            pl.BlockSpec((BN, DIM), lambda i: (i, 0)),
        ],
        out_shape=[
            jax.ShapeDtypeStruct((N_PAD,), jnp.float32),
            jax.ShapeDtypeStruct((N_PAD, DIM), jnp.float32),
        ],
    )(degp, x, w)


def _tc_mid_body(p_ref, hw_ref, norm_ref, b_ref, w_ref, out_ref):
    agg = p_ref[0] + p_ref[1] - hw_ref[...]
    nrm = norm_ref[...]
    h = agg * nrm[:, None] + b_ref[...]
    out_ref[...] = jnp.dot(h * nrm[:, None], w_ref[...],
                           preferred_element_type=jnp.float32)


@jax.jit
def _tc_mid(p, hw, norm, b, w):
    grid = (N_PAD // BN,)
    return pl.pallas_call(
        _tc_mid_body,
        grid=grid,
        in_specs=[
            pl.BlockSpec((2, BN, DIM), lambda i: (0, i, 0)),
            pl.BlockSpec((BN, DIM), lambda i: (i, 0)),
            pl.BlockSpec((BN,), lambda i: (i,)),
            pl.BlockSpec((1, DIM), lambda i: (0, 0)),
            pl.BlockSpec((DIM, DIM), lambda i: (0, 0)),
        ],
        out_specs=pl.BlockSpec((BN, DIM), lambda i: (i, 0)),
        out_shape=jax.ShapeDtypeStruct((N_PAD, DIM), jnp.float32),
    )(p, hw, norm, b, w)


def _tc_final_body(p_ref, hw_ref, norm_ref, b_ref, out_ref):
    agg = p_ref[0] + p_ref[1] - hw_ref[...]
    nrm = norm_ref[...]
    out_ref[...] = agg * nrm[:, None] + b_ref[...]


@jax.jit
def _tc_final(p, hw, norm, b):
    grid = (N_PAD // BN,)
    return pl.pallas_call(
        _tc_final_body,
        grid=grid,
        in_specs=[
            pl.BlockSpec((2, BN, DIM), lambda i: (0, i, 0)),
            pl.BlockSpec((BN, DIM), lambda i: (i, 0)),
            pl.BlockSpec((BN,), lambda i: (i,)),
            pl.BlockSpec((1, DIM), lambda i: (0, 0)),
        ],
        out_specs=pl.BlockSpec((BN, DIM), lambda i: (i, 0)),
        out_shape=jax.ShapeDtypeStruct((N_PAD, DIM), jnp.float32),
    )(p, hw, norm, b)



def kernel(x, edge_index, dst_node_ids, W1, b1, W2, b2):
    src = edge_index[0]
    dst = edge_index[1]
    pad_n = E_PAD - N_EDGES
    pad_idx = (N_NODES
               + (jnp.arange(pad_n, dtype=jnp.int32) % (N_PAD - N_NODES)))
    extra = (N_NODES + (jnp.arange(NW * PCH * K, dtype=jnp.int32)
                        % (N_PAD - N_NODES))).reshape(NW, PCH, K)
    srcp = jnp.concatenate(
        [jnp.concatenate([src, pad_idx]).reshape(NW, C, K), extra], axis=1)
    dstp = jnp.concatenate(
        [jnp.concatenate([dst, pad_idx]).reshape(NW, C, K), extra], axis=1)
    x_pad = jnp.zeros((N_PAD, DIM), jnp.float32).at[:N_NODES].set(x)

    zeros_n = jnp.zeros((N_PAD,), jnp.float32)
    ones_k = jnp.ones((K,), jnp.float32)

    degp = _sc_degree(zeros_n, ones_k, dstp).reshape(NC, N_PAD)
    norm, hw1 = _tc_norm_mm(degp, x_pad, W1)
    p1 = _sc_scatter(hw1, srcp, dstp).reshape(NC, N_PAD, DIM)
    hw2 = _tc_mid(p1, hw1, norm, b1.reshape(1, DIM), W2)
    p2 = _sc_scatter(hw2, srcp, dstp).reshape(NC, N_PAD, DIM)
    h2 = _tc_final(p2, hw2, norm, b2.reshape(1, DIM))
    return (h2[:N_NODES], dst_node_ids)

# --- scband reference (transcript-rebuilt; emitter-appended) ---
"""Pipeline reference for scband-gcn-80470507257933 (READ-ONLY COPY).

The authoritative reference and input builder live on the scoring server;
editing this copy changes nothing except your own understanding.
"""

import jax, jax.numpy as jnp
import numpy as np

N = 10000
E = 320000
D = 128

def setup_inputs(seed: int = 0) -> dict:
    key = jax.random.key(seed)
    k1, k2, k3, k4, k5, k6, k7 = jax.random.split(key, 7)
    x = jax.random.normal(k1, (N, D), dtype=jnp.float32)
    edge_index = jax.random.randint(k2, (2, E), 0, N, dtype=jnp.int32)
    dst_node_ids = jax.random.randint(k3, (1024,), 0, N, dtype=jnp.int32)
    scale = 1.0 / np.sqrt(D)
    W1 = jax.random.uniform(k4, (D, D), dtype=jnp.float32, minval=-scale, maxval=scale)
    b1 = jnp.zeros((D,), dtype=jnp.float32)
    W2 = jax.random.uniform(k5, (D, D), dtype=jnp.float32, minval=-scale, maxval=scale)
    b2 = jnp.zeros((D,), dtype=jnp.float32)
    return {"x": x, "edge_index": edge_index, "dst_node_ids": dst_node_ids,
            "W1": W1, "b1": b1, "W2": W2, "b2": b2}

def reference(x, edge_index, dst_node_ids, W1, b1, W2, b2):
    # GCN with DGL GraphConv semantics (norm='both') and added self-loops.
    loop = jnp.arange(N, dtype=edge_index.dtype)
    src = jnp.concatenate([edge_index[0], loop])
    dst = jnp.concatenate([edge_index[1], loop])
    # in-degree including self loop (>=1 everywhere)
    deg = jax.ops.segment_sum(jnp.ones_like(src, dtype=jnp.float32), dst, num_segments=N)
    norm = jax.lax.rsqrt(jnp.maximum(deg, 1.0))

    def graph_conv(h, W, b):
        # symmetric normalization: D^{-1/2} A D^{-1/2} h W + b
        h = h * norm[:, None]
        h = h @ W
        msg = jnp.take(h, src, axis=0)          # gather from source nodes
        agg = jax.ops.segment_sum(msg, dst, num_segments=N)  # scatter-add to dst
        agg = agg * norm[:, None]
        return agg + b

    h = x.astype(jnp.float32)
    h = graph_conv(h, W1, b1)
    # dropout p=0 -> identity
    h = graph_conv(h, W2, b2)
    return (h, dst_node_ids)

if __name__ == "__main__":
    import jax
    _d = setup_inputs()
    print(jax.jit(kernel)(*tuple(_d.values())))

</pallas_src>

<mosaic_0001>
#map = affine_map<(d0, d1) -> (0)>
#map1 = affine_map<(d0, d1) -> (0, 0, 0)>
module attributes {stable_mosaic.version = 14 : i64} {
  func.func @_deg_body(%arg0: i32, %arg1: i32, %arg2: memref<10240xf32, #tpu.memory_space<hbm>>, %arg3: memref<128xf32, #tpu.memory_space<hbm>>, %arg4: memref<32x82x128xi32, #tpu.memory_space<hbm>>, %arg5: memref<20480xf32, #tpu.memory_space<hbm>>, %arg6: memref<82x128xi32, #tpu.memory_space<vmem>>, %arg7: memref<128xf32, #tpu.memory_space<vmem>>, %arg8: memref<10240xf32, #tpu.memory_space<vmem_shared>>, %arg9: memref<!tpu.dma_semaphore, #tpu.memory_space<semaphore_mem>>) attributes {dimension_semantics = [#tpu.dimension_semantics<core_parallel>, #tpu.dimension_semantics<subcore_parallel>], iteration_bounds = array<i64: 2, 16>, scalar_prefetch = 0 : i64, scratch_operands = 4 : i64, tpu.core_type = #tpu.core_type<sc_vector_subcore>, window_params = [{transform_indices = #map}, {transform_indices = #map}, {transform_indices = #map1}, {transform_indices = #map}]} {
    %mul3A = arith.constant 2 : i32
    %mul3A_0 = arith.muli %arg1, %mul3A : i32
    %add3A = arith.addi %mul3A_0, %arg0 : i32
    "tpu.region"() ({
      %run_scoped3A = tpu.sem_alloc : memref<!tpu.dma_semaphore, #tpu.memory_space<semaphore_mem>>
      %dma_start3A = arith.constant 0 : i32
      %dma_start3A_18 = arith.constant 0 : i32
      %dma_start3A_19 = tpu.memref_slice %arg4[%add3A, %dma_start3A, %dma_start3A_18] : memref<32x82x128xi32, #tpu.memory_space<hbm>> -> memref<1x82x128xi32, #tpu.memory_space<hbm>>
      %dma_start3A_20 = tpu.memref_squeeze %dma_start3A_19 : memref<1x82x128xi32, #tpu.memory_space<hbm>> -> memref<82x128xi32, #tpu.memory_space<hbm>>
      %dma_start3A_21 = arith.constant 0 : i32
      %dma_start3A_22 = arith.constant 0 : i32
      %dma_start3A_23 = tpu.memref_slice %arg4[%add3A, %dma_start3A_21, %dma_start3A_22] : memref<32x82x128xi32, #tpu.memory_space<hbm>> -> memref<1x82x128xi32, #tpu.memory_space<hbm>>
      %dma_start3A_24 = tpu.memref_squeeze %dma_start3A_23 : memref<1x82x128xi32, #tpu.memory_space<hbm>> -> memref<82x128xi32, #tpu.memory_space<hbm>>
      tpu.enqueue_dma source(%dma_start3A_24 : memref<82x128xi32, #tpu.memory_space<hbm>>) target(%arg6 : memref<82x128xi32, #tpu.memory_space<vmem>>) target_semaphore(%run_scoped3A : memref<!tpu.dma_semaphore, #tpu.memory_space<semaphore_mem>>)
      %dma_wait3A = arith.constant 0 : i32
      %dma_wait3A_25 = arith.constant 0 : i32
      %dma_wait3A_26 = tpu.memref_slice %arg4[%add3A, %dma_wait3A, %dma_wait3A_25] : memref<32x82x128xi32, #tpu.memory_space<hbm>> -> memref<1x82x128xi32, #tpu.memory_space<hbm>>
      %dma_wait3A_27 = tpu.memref_squeeze %dma_wait3A_26 : memref<1x82x128xi32, #tpu.memory_space<hbm>> -> memref<82x128xi32, #tpu.memory_space<hbm>>
      %dma_wait3A_28 = arith.constant 0 : i32
      %dma_wait3A_29 = arith.constant 0 : i32
      %dma_wait3A_30 = tpu.memref_slice %arg4[%add3A, %dma_wait3A_28, %dma_wait3A_29] : memref<32x82x128xi32, #tpu.memory_space<hbm>> -> memref<1x82x128xi32, #tpu.memory_space<hbm>>
      %dma_wait3A_31 = tpu.memref_squeeze %dma_wait3A_30 : memref<1x82x128xi32, #tpu.memory_space<hbm>> -> memref<82x128xi32, #tpu.memory_space<hbm>>
      tpu.wait_dma2 semaphore(%run_scoped3A : memref<!tpu.dma_semaphore, #tpu.memory_space<semaphore_mem>>) src(%dma_wait3A_31 : memref<82x128xi32, #tpu.memory_space<hbm>>) dst(%arg6 : memref<82x128xi32, #tpu.memory_space<vmem>>)
      tpu.yield
    }) : () -> ()
    "tpu.region"() ({
      %run_scoped3A = tpu.sem_alloc : memref<!tpu.dma_semaphore, #tpu.memory_space<semaphore_mem>>
      tpu.enqueue_dma source(%arg3 : memref<128xf32, #tpu.memory_space<hbm>>) target(%arg7 : memref<128xf32, #tpu.memory_space<vmem>>) target_semaphore(%run_scoped3A : memref<!tpu.dma_semaphore, #tpu.memory_space<semaphore_mem>>)
      tpu.wait_dma2 semaphore(%run_scoped3A : memref<!tpu.dma_semaphore, #tpu.memory_space<semaphore_mem>>) src(%arg3 : memref<128xf32, #tpu.memory_space<hbm>>) dst(%arg7 : memref<128xf32, #tpu.memory_space<vmem>>)
      tpu.yield
    }) : () -> ()
    %mul3A_1 = arith.constant 640 : i32
    %mul3A_2 = arith.muli %arg1, %mul3A_1 : i32
    %mul3A_3 = arith.constant 640 : i32
    %mul3A_4 = arith.muli %arg1, %mul3A_3 : i32
    "tpu.region"() ({
      %run_scoped3A = tpu.sem_alloc : memref<!tpu.dma_semaphore, #tpu.memory_space<semaphore_mem>>
      %dma_start3A = tpu.memref_slice %arg8[%mul3A_4] : memref<10240xf32, #tpu.memory_space<vmem_shared>> -> memref<640xf32, #tpu.memory_space<vmem_shared>>
      %dma_start3A_18 = tpu.memref_slice %arg2[%mul3A_2] : memref<10240xf32, #tpu.memory_space<hbm>> -> memref<640xf32, #tpu.memory_space<hbm>>
      tpu.enqueue_dma source(%dma_start3A_18 : memref<640xf32, #tpu.memory_space<hbm>>) target(%dma_start3A : memref<640xf32, #tpu.memory_space<vmem_shared>>) target_semaphore(%run_scoped3A : memref<!tpu.dma_semaphore, #tpu.memory_space<semaphore_mem>>)
      %dma_wait3A = tpu.memref_slice %arg8[%mul3A_4] : memref<10240xf32, #tpu.memory_space<vmem_shared>> -> memref<640xf32, #tpu.memory_space<vmem_shared>>
      %dma_wait3A_19 = tpu.memref_slice %arg2[%mul3A_2] : memref<10240xf32, #tpu.memory_space<hbm>> -> memref<640xf32, #tpu.memory_space<hbm>>
      tpu.wait_dma2 semaphore(%run_scoped3A : memref<!tpu.dma_semaphore, #tpu.memory_space<semaphore_mem>>) src(%dma_wait3A_19 : memref<640xf32, #tpu.memory_space<hbm>>) dst(%dma_wait3A : memref<640xf32, #tpu.memory_space<vmem_shared>>)
      tpu.yield
    }) : () -> ()
    %barrier3A = arith.constant 0 : index
    tpu.barrier barrier_id(%barrier3A)
    %scan3A = arith.constant 0 : i32
    %scan3A_5 = arith.constant 0 : i32
    %scan3A_6 = arith.constant 10 : i32
    %scan3A_7 = arith.addi %scan3A_5, %scan3A_6 : i32
    %scan3A_8 = arith.constant 1 : i32
    scf.for %scan3A_18 = %scan3A_5 to %scan3A_7 step %scan3A_8  : i32 {
      %mul3A_19 = arith.constant 8 : i32
      %mul3A_20 = arith.muli %scan3A_18, %mul3A_19 : i32
      %add3A_21 = arith.constant 0 : i32
      %add3A_22 = arith.addi %mul3A_20, %add3A_21 : i32
      %dma_start3A = arith.constant 0 : i32
      %dma_start3A_23 = tpu.memref_slice %arg6[%add3A_22, %dma_start3A] : memref<82x128xi32, #tpu.memory_space<vmem>> -> memref<1x128xi32, #tpu.memory_space<vmem>>
      %dma_start3A_24 = tpu.memref_squeeze %dma_start3A_23 : memref<1x128xi32, #tpu.memory_space<vmem>> -> memref<128xi32, #tpu.memory_space<vmem>>
      %dma_start3A_25 = arith.constant 0 : i32
      %dma_start3A_26 = tpu.memref_slice %arg8[%dma_start3A_25] : memref<10240xf32, #tpu.memory_space<vmem_shared>> -> memref<10240xf32, #tpu.memory_space<vmem_shared>>
      tpu.enqueue_indirect_dma source(%arg7 : memref<128xf32, #tpu.memory_space<vmem>>) target(%dma_start3A_26 : memref<10240xf32, #tpu.memory_space<vmem_shared>>) offsets(%dma_start3A_24 : memref<128xi32, #tpu.memory_space<vmem>>) semaphore(%arg9 : memref<!tpu.dma_semaphore, #tpu.memory_space<semaphore_mem>>) {add = true}
      %mul3A_27 = arith.constant 8 : i32
      %mul3A_28 = arith.muli %scan3A_18, %mul3A_27 : i32
      %add3A_29 = arith.constant 1 : i32
      %add3A_30 = arith.addi %mul3A_28, %add3A_29 : i32
      %dma_start3A_31 = arith.constant 0 : i32
      %dma_start3A_32 = tpu.memref_slice %arg6[%add3A_30, %dma_start3A_31] : memref<82x128xi32, #tpu.memory_space<vmem>> -> memref<1x128xi32, #tpu.memory_space<vmem>>
      %dma_start3A_33 = tpu.memref_squeeze %dma_start3A_32 : memref<1x128xi32, #tpu.memory_space<vmem>> -> memref<128xi32, #tpu.memory_space<vmem>>
      %dma_start3A_34 = arith.constant 0 : i32
      %dma_start3A_35 = tpu.memref_slice %arg8[%dma_start3A_34] : memref<10240xf32, #tpu.memory_space<vmem_shared>> -> memref<10240xf32, #tpu.memory_space<vmem_shared>>
      tpu.enqueue_indirect_dma source(%arg7 : memref<128xf32, #tpu.memory_space<vmem>>) target(%dma_start3A_35 : memref<10240xf32, #tpu.memory_space<vmem_shared>>) offsets(%dma_start3A_33 : memref<128xi32, #tpu.memory_space<vmem>>) semaphore(%arg9 : memref<!tpu.dma_semaphore, #tpu.memory_space<semaphore_mem>>) {add = true}
      %mul3A_36 = arith.constant 8 : i32
      %mul3A_37 = arith.muli %scan3A_18, %mul3A_36 : i32
      %add3A_38 = arith.constant 2 : i32
      %add3A_39 = arith.addi %mul3A_37, %add3A_38 : i32
      %dma_start3A_40 = arith.constant 0 : i32
      %dma_start3A_41 = tpu.memref_slice %arg6[%add3A_39, %dma_start3A_40] : memref<82x128xi32, #tpu.memory_space<vmem>> -> memref<1x128xi32, #tpu.memory_space<vmem>>
      %dma_start3A_42 = tpu.memref_squeeze %dma_start3A_41 : memref<1x128xi32, #tpu.memory_space<vmem>> -> memref<128xi32, #tpu.memory_space<vmem>>
      %dma_start3A_43 = arith.constant 0 : i32
      %dma_start3A_44 = tpu.memref_slice %arg8[%dma_start3A_43] : memref<10240xf32, #tpu.memory_space<vmem_shared>> -> memref<10240xf32, #tpu.memory_space<vmem_shared>>
      tpu.enqueue_indirect_dma source(%arg7 : memref<128xf32, #tpu.memory_space<vmem>>) target(%dma_start3A_44 : memref<10240xf32, #tpu.memory_space<vmem_shared>>) offsets(%dma_start3A_42 : memref<128xi32, #tpu.memory_space<vmem>>) semaphore(%arg9 : memref<!tpu.dma_semaphore, #tpu.memory_space<semaphore_mem>>) {add = true}
      %mul3A_45 = arith.constant 8 : i32
      %mul3A_46 = arith.muli %scan3A_18, %mul3A_45 : i32
      %add3A_47 = arith.constant 3 : i32
      %add3A_48 = arith.addi %mul3A_46, %add3A_47 : i32
      %dma_start3A_49 = arith.constant 0 : i32
      %dma_start3A_50 = tpu.memref_slice %arg6[%add3A_48, %dma_start3A_49] : memref<82x128xi32, #tpu.memory_space<vmem>> -> memref<1x128xi32, #tpu.memory_space<vmem>>
      %dma_start3A_51 = tpu.memref_squeeze %dma_start3A_50 : memref<1x128xi32, #tpu.memory_space<vmem>> -> memref<128xi32, #tpu.memory_space<vmem>>
      %dma_start3A_52 = arith.constant 0 : i32
      %dma_start3A_53 = tpu.memref_slice %arg8[%dma_start3A_52] : memref<10240xf32, #tpu.memory_space<vmem_shared>> -> memref<10240xf32, #tpu.memory_space<vmem_shared>>
      tpu.enqueue_indirect_dma source(%arg7 : memref<128xf32, #tpu.memory_space<vmem>>) target(%dma_start3A_53 : memref<10240xf32, #tpu.memory_space<vmem_shared>>) offsets(%dma_start3A_51 : memref<128xi32, #tpu.memory_space<vmem>>) semaphore(%arg9 : memref<!tpu.dma_semaphore, #tpu.memory_space<semaphore_mem>>) {add = true}
      %mul3A_54 = arith.constant 8 : i32
      %mul3A_55 = arith.muli %scan3A_18, %mul3A_54 : i32
      %add3A_56 = arith.constant 4 : i32
      %add3A_57 = arith.addi %mul3A_55, %add3A_56 : i32
      %dma_start3A_58 = arith.constant 0 : i32
      %dma_start3A_59 = tpu.memref_slice %arg6[%add3A_57, %dma_start3A_58] : memref<82x128xi32, #tpu.memory_space<vmem>> -> memref<1x128xi32, #tpu.memory_space<vmem>>
      %dma_start3A_60 = tpu.memref_squeeze %dma_start3A_59 : memref<1x128xi32, #tpu.memory_space<vmem>> -> memref<128xi32, #tpu.memory_space<vmem>>
      %dma_start3A_61 = arith.constant 0 : i32
      %dma_start3A_62 = tpu.memref_slice %arg8[%dma_start3A_61] : memref<10240xf32, #tpu.memory_space<vmem_shared>> -> memref<10240xf32, #tpu.memory_space<vmem_shared>>
      tpu.enqueue_indirect_dma source(%arg7 : memref<128xf32, #tpu.memory_space<vmem>>) target(%dma_start3A_62 : memref<10240xf32, #tpu.memory_space<vmem_shared>>) offsets(%dma_start3A_60 : memref<128xi32, #tpu.memory_space<vmem>>) semaphore(%arg9 : memref<!tpu.dma_semaphore, #tpu.memory_space<semaphore_mem>>) {add = true}
      %mul3A_63 = arith.constant 8 : i32
      %mul3A_64 = arith.muli %scan3A_18, %mul3A_63 : i32
      %add3A_65 = arith.constant 5 : i32
      %add3A_66 = arith.addi %mul3A_64, %add3A_65 : i32
      %dma_start3A_67 = arith.constant 0 : i32
      %dma_start3A_68 = tpu.memref_slice %arg6[%add3A_66, %dma_start3A_67] : memref<82x128xi32, #tpu.memory_space<vmem>> -> memref<1x128xi32, #tpu.memory_space<vmem>>
      %dma_start3A_69 = tpu.memref_squeeze %dma_start3A_68 : memref<1x128xi32, #tpu.memory_space<vmem>> -> memref<128xi32, #tpu.memory_space<vmem>>
      %dma_start3A_70 = arith.constant 0 : i32
      %dma_start3A_71 = tpu.memref_slice %arg8[%dma_start3A_70] : memref<10240xf32, #tpu.memory_space<vmem_shared>> -> memref<10240xf32, #tpu.memory_space<vmem_shared>>
      tpu.enqueue_indirect_dma source(%arg7 : memref<128xf32, #tpu.memory_space<vmem>>) target(%dma_start3A_71 : memref<10240xf32, #tpu.memory_space<vmem_shared>>) offsets(%dma_start3A_69 : memref<128xi32, #tpu.memory_space<vmem>>) semaphore(%arg9 : memref<!tpu.dma_semaphore, #tpu.memory_space<semaphore_mem>>) {add = true}
      %mul3A_72 = arith.constant 8 : i32
      %mul3A_73 = arith.muli %scan3A_18, %mul3A_72 : i32
      %add3A_74 = arith.constant 6 : i32
      %add3A_75 = arith.addi %mul3A_73, %add3A_74 : i32
      %dma_start3A_76 = arith.constant 0 : i32
      %dma_start3A_77 = tpu.memref_slice %arg6[%add3A_75, %dma_start3A_76] : memref<82x128xi32, #tpu.memory_space<vmem>> -> memref<1x128xi32, #tpu.memory_space<vmem>>
      %dma_start3A_78 = tpu.memref_squeeze %dma_start3A_77 : memref<1x128xi32, #tpu.memory_space<vmem>> -> memref<128xi32, #tpu.memory_space<vmem>>
      %dma_start3A_79 = arith.constant 0 : i32
      %dma_start3A_80 = tpu.memref_slice %arg8[%dma_start3A_79] : memref<10240xf32, #tpu.memory_space<vmem_shared>> -> memref<10240xf32, #tpu.memory_space<vmem_shared>>
      tpu.enqueue_indirect_dma source(%arg7 : memref<128xf32, #tpu.memory_space<vmem>>) target(%dma_start3A_80 : memref<10240xf32, #tpu.memory_space<vmem_shared>>) offsets(%dma_start3A_78 : memref<128xi32, #tpu.memory_space<vmem>>) semaphore(%arg9 : memref<!tpu.dma_semaphore, #tpu.memory_space<semaphore_mem>>) {add = true}
      %mul3A_81 = arith.constant 8 : i32
      %mul3A_82 = arith.muli %scan3A_18, %mul3A_81 : i32
      %add3A_83 = arith.constant 7 : i32
      %add3A_84 = arith.addi %mul3A_82, %add3A_83 : i32
      %dma_start3A_85 = arith.constant 0 : i32
      %dma_start3A_86 = tpu.memref_slice %arg6[%add3A_84, %dma_start3A_85] : memref<82x128xi32, #tpu.memory_space<vmem>> -> memref<1x128xi32, #tpu.memory_space<vmem>>
      %dma_start3A_87 = tpu.memref_squeeze %dma_start3A_86 : memref<1x128xi32, #tpu.memory_space<vmem>> -> memref<128xi32, #tpu.memory_space<vmem>>
      %dma_start3A_88 = arith.constant 0 : i32
      %dma_start3A_89 = tpu.memref_slice %arg8[%dma_start3A_88] : memref<10240xf32, #tpu.memory_space<vmem_shared>> -> memref<10240xf32, #tpu.memory_space<vmem_shared>>
      tpu.enqueue_indirect_dma source(%arg7 : memref<128xf32, #tpu.memory_space<vmem>>) target(%dma_start3A_89 : memref<10240xf32, #tpu.memory_space<vmem_shared>>) offsets(%dma_start3A_87 : memref<128xi32, #tpu.memory_space<vmem>>) semaphore(%arg9 : memref<!tpu.dma_semaphore, #tpu.memory_space<semaphore_mem>>) {add = true}
      %mul3A_90 = arith.constant 8 : i32
      %mul3A_91 = arith.muli %scan3A_18, %mul3A_90 : i32
      %add3A_92 = arith.constant 0 : i32
      %add3A_93 = arith.addi %mul3A_91, %add3A_92 : i32
      %dma_wait3A = arith.constant 0 : i32
      %dma_wait3A_94 = tpu.memref_slice %arg6[%add3A_93, %dma_wait3A] : memref<82x128xi32, #tpu.memory_space<vmem>> -> memref<1x128xi32, #tpu.memory_space<vmem>>
      %dma_wait3A_95 = tpu.memref_squeeze %dma_wait3A_94 : memref<1x128xi32, #tpu.memory_space<vmem>> -> memref<128xi32, #tpu.memory_space<vmem>>
      %dma_wait3A_96 = arith.constant 0 : i32
      %dma_wait3A_97 = tpu.memref_slice %arg8[%dma_wait3A_96] : memref<10240xf32, #tpu.memory_space<vmem_shared>> -> memref<10240xf32, #tpu.memory_space<vmem_shared>>
      tpu.wait_indirect_dma semaphore(%arg9 : memref<!tpu.dma_semaphore, #tpu.memory_space<semaphore_mem>>) src(%arg7 : memref<128xf32, #tpu.memory_space<vmem>>) dst(%dma_wait3A_97 : memref<10240xf32, #tpu.memory_space<vmem_shared>>)
      %mul3A_98 = arith.constant 8 : i32
      %mul3A_99 = arith.muli %scan3A_18, %mul3A_98 : i32
      %add3A_100 = arith.constant 1 : i32
      %add3A_101 = arith.addi %mul3A_99, %add3A_100 : i32
      %dma_wait3A_102 = arith.constant 0 : i32
      %dma_wait3A_103 = tpu.memref_slice %arg6[%add3A_101, %dma_wait3A_102] : memref<82x128xi32, #tpu.memory_space<vmem>> -> memref<1x128xi32, #tpu.memory_space<vmem>>
      %dma_wait3A_104 = tpu.memref_squeeze %dma_wait3A_103 : memref<1x128xi32, #tpu.memory_space<vmem>> -> memref<128xi32, #tpu.memory_space<vmem>>
      %dma_wait3A_105 = arith.constant 0 : i32
      %dma_wait3A_106 = tpu.memref_slice %arg8[%dma_wait3A_105] : memref<10240xf32, #tpu.memory_space<vmem_shared>> -> memref<10240xf32, #tpu.memory_space<vmem_shared>>
      tpu.wait_indirect_dma semaphore(%arg9 : memref<!tpu.dma_semaphore, #tpu.memory_space<semaphore_mem>>) src(%arg7 : memref<128xf32, #tpu.memory_space<vmem>>) dst(%dma_wait3A_106 : memref<10240xf32, #tpu.memory_space<vmem_shared>>)
      %mul3A_107 = arith.constant 8 : i32
      %mul3A_108 = arith.muli %scan3A_18, %mul3A_107 : i32
      %add3A_109 = arith.constant 2 : i32
      %add3A_110 = arith.addi %mul3A_108, %add3A_109 : i32
      %dma_wait3A_111 = arith.constant 0 : i32
      %dma_wait3A_112 = tpu.memref_slice %arg6[%add3A_110, %dma_wait3A_111] : memref<82x128xi32, #tpu.memory_space<vmem>> -> memref<1x128xi32, #tpu.memory_space<vmem>>
      %dma_wait3A_113 = tpu.memref_squeeze %dma_wait3A_112 : memref<1x128xi32, #tpu.memory_space<vmem>> -> memref<128xi32, #tpu.memory_space<vmem>>
      %dma_wait3A_114 = arith.constant 0 : i32
      %dma_wait3A_115 = tpu.memref_slice %arg8[%dma_wait3A_114] : memref<10240xf32, #tpu.memory_space<vmem_shared>> -> memref<10240xf32, #tpu.memory_space<vmem_shared>>
      tpu.wait_indirect_dma semaphore(%arg9 : memref<!tpu.dma_semaphore, #tpu.memory_space<semaphore_mem>>) src(%arg7 : memref<128xf32, #tpu.memory_space<vmem>>) dst(%dma_wait3A_115 : memref<10240xf32, #tpu.memory_space<vmem_shared>>)
      %mul3A_116 = arith.constant 8 : i32
      %mul3A_117 = arith.muli %scan3A_18, %mul3A_116 : i32
      %add3A_118 = arith.constant 3 : i32
      %add3A_119 = arith.addi %mul3A_117, %add3A_118 : i32
      %dma_wait3A_120 = arith.constant 0 : i32
      %dma_wait3A_121 = tpu.memref_slice %arg6[%add3A_119, %dma_wait3A_120] : memref<82x128xi32, #tpu.memory_space<vmem>> -> memref<1x128xi32, #tpu.memory_space<vmem>>
      %dma_wait3A_122 = tpu.memref_squeeze %dma_wait3A_121 : memref<1x128xi32, #tpu.memory_space<vmem>> -> memref<128xi32, #tpu.memory_space<vmem>>
      %dma_wait3A_123 = arith.constant 0 : i32
      %dma_wait3A_124 = tpu.memref_slice %arg8[%dma_wait3A_123] : memref<10240xf32, #tpu.memory_space<vmem_shared>> -> memref<10240xf32, #tpu.memory_space<vmem_shared>>
      tpu.wait_indirect_dma semaphore(%arg9 : memref<!tpu.dma_semaphore, #tpu.memory_space<semaphore_mem>>) src(%arg7 : memref<128xf32, #tpu.memory_space<vmem>>) dst(%dma_wait3A_124 : memref<10240xf32, #tpu.memory_space<vmem_shared>>)
      %mul3A_125 = arith.constant 8 : i32
      %mul3A_126 = arith.muli %scan3A_18, %mul3A_125 : i32
      %add3A_127 = arith.constant 4 : i32
      %add3A_128 = arith.addi %mul3A_126, %add3A_127 : i32
      %dma_wait3A_129 = arith.constant 0 : i32
      %dma_wait3A_130 = tpu.memref_slice %arg6[%add3A_128, %dma_wait3A_129] : memref<82x128xi32, #tpu.memory_space<vmem>> -> memref<1x128xi32, #tpu.memory_space<vmem>>
      %dma_wait3A_131 = tpu.memref_squeeze %dma_wait3A_130 : memref<1x128xi32, #tpu.memory_space<vmem>> -> memref<128xi32, #tpu.memory_space<vmem>>
      %dma_wait3A_132 = arith.constant 0 : i32
      %dma_wait3A_133 = tpu.memref_slice %arg8[%dma_wait3A_132] : memref<10240xf32, #tpu.memory_space<vmem_shared>> -> memref<10240xf32, #tpu.memory_space<vmem_shared>>
      tpu.wait_indirect_dma semaphore(%arg9 : memref<!tpu.dma_semaphore, #tpu.memory_space<semaphore_mem>>) src(%arg7 : memref<128xf32, #tpu.memory_space<vmem>>) dst(%dma_wait3A_133 : memref<10240xf32, #tpu.memory_space<vmem_shared>>)
      %mul3A_134 = arith.constant 8 : i32
      %mul3A_135 = arith.muli %scan3A_18, %mul3A_134 : i32
      %add3A_136 = arith.constant 5 : i32
      %add3A_137 = arith.addi %mul3A_135, %add3A_136 : i32
      %dma_wait3A_138 = arith.constant 0 : i32
      %dma_wait3A_139 = tpu.memref_slice %arg6[%add3A_137, %dma_wait3A_138] : memref<82x128xi32, #tpu.memory_space<vmem>> -> memref<1x128xi32, #tpu.memory_space<vmem>>
      %dma_wait3A_140 = tpu.memref_squeeze %dma_wait3A_139 : memref<1x128xi32, #tpu.memory_space<vmem>> -> memref<128xi32, #tpu.memory_space<vmem>>
      %dma_wait3A_141 = arith.constant 0 : i32
      %dma_wait3A_142 = tpu.memref_slice %arg8[%dma_wait3A_141] : memref<10240xf32, #tpu.memory_space<vmem_shared>> -> memref<10240xf32, #tpu.memory_space<vmem_shared>>
      tpu.wait_indirect_dma semaphore(%arg9 : memref<!tpu.dma_semaphore, #tpu.memory_space<semaphore_mem>>) src(%arg7 : memref<128xf32, #tpu.memory_space<vmem>>) dst(%dma_wait3A_142 : memref<10240xf32, #tpu.memory_space<vmem_shared>>)
      %mul3A_143 = arith.constant 8 : i32
      %mul3A_144 = arith.muli %scan3A_18, %mul3A_143 : i32
      %add3A_145 = arith.constant 6 : i32
      %add3A_146 = arith.addi %mul3A_144, %add3A_145 : i32
      %dma_wait3A_147 = arith.constant 0 : i32
      %dma_wait3A_148 = tpu.memref_slice %arg6[%add3A_146, %dma_wait3A_147] : memref<82x128xi32, #tpu.memory_space<vmem>> -> memref<1x128xi32, #tpu.memory_space<vmem>>
      %dma_wait3A_149 = tpu.memref_squeeze %dma_wait3A_148 : memref<1x128xi32, #tpu.memory_space<vmem>> -> memref<128xi32, #tpu.memory_space<vmem>>
      %dma_wait3A_150 = arith.constant 0 : i32
      %dma_wait3A_151 = tpu.memref_slice %arg8[%dma_wait3A_150] : memref<10240xf32, #tpu.memory_space<vmem_shared>> -> memref<10240xf32, #tpu.memory_space<vmem_shared>>
      tpu.wait_indirect_dma semaphore(%arg9 : memref<!tpu.dma_semaphore, #tpu.memory_space<semaphore_mem>>) src(%arg7 : memref<128xf32, #tpu.memory_space<vmem>>) dst(%dma_wait3A_151 : memref<10240xf32, #tpu.memory_space<vmem_shared>>)
      %mul3A_152 = arith.constant 8 : i32
      %mul3A_153 = arith.muli %scan3A_18, %mul3A_152 : i32
      %add3A_154 = arith.constant 7 : i32
      %add3A_155 = arith.addi %mul3A_153, %add3A_154 : i32
      %dma_wait3A_156 = arith.constant 0 : i32
      %dma_wait3A_157 = tpu.memref_slice %arg6[%add3A_155, %dma_wait3A_156] : memref<82x128xi32, #tpu.memory_space<vmem>> -> memref<1x128xi32, #tpu.memory_space<vmem>>
      %dma_wait3A_158 = tpu.memref_squeeze %dma_wait3A_157 : memref<1x128xi32, #tpu.memory_space<vmem>> -> memref<128xi32, #tpu.memory_space<vmem>>
      %dma_wait3A_159 = arith.constant 0 : i32
      %dma_wait3A_160 = tpu.memref_slice %arg8[%dma_wait3A_159] : memref<10240xf32, #tpu.memory_space<vmem_shared>> -> memref<10240xf32, #tpu.memory_space<vmem_shared>>
      tpu.wait_indirect_dma semaphore(%arg9 : memref<!tpu.dma_semaphore, #tpu.memory_space<semaphore_mem>>) src(%arg7 : memref<128xf32, #tpu.memory_space<vmem>>) dst(%dma_wait3A_160 : memref<10240xf32, #tpu.memory_space<vmem_shared>>)
    }
    %scan3A_9 = arith.constant 10 : i32
    %barrier3A_10 = arith.constant 0 : index
    tpu.barrier barrier_id(%barrier3A_10)
    %mul3A_11 = arith.constant 640 : i32
    %mul3A_12 = arith.muli %arg1, %mul3A_11 : i32
    %mul3A_13 = arith.constant 10240 : i32
    %mul3A_14 = arith.muli %arg0, %mul3A_13 : i32
    %mul3A_15 = arith.constant 640 : i32
    %mul3A_16 = arith.muli %arg1, %mul3A_15 : i32
    %add3A_17 = arith.addi %mul3A_14, %mul3A_16 : i32
    "tpu.region"() ({
      %run_scoped3A = tpu.sem_alloc : memref<!tpu.dma_semaphore, #tpu.memory_space<semaphore_mem>>
      %dma_start3A = tpu.memref_slice %arg5[%add3A_17] : memref<20480xf32, #tpu.memory_space<hbm>> -> memref<640xf32, #tpu.memory_space<hbm>>
      %dma_start3A_18 = tpu.memref_slice %arg8[%mul3A_12] : memref<10240xf32, #tpu.memory_space<vmem_shared>> -> memref<640xf32, #tpu.memory_space<vmem_shared>>
      tpu.enqueue_dma source(%dma_start3A_18 : memref<640xf32, #tpu.memory_space<vmem_shared>>) target(%dma_start3A : memref<640xf32, #tpu.memory_space<hbm>>) target_semaphore(%run_scoped3A : memref<!tpu.dma_semaphore, #tpu.memory_space<semaphore_mem>>)
      %dma_wait3A = tpu.memref_slice %arg5[%add3A_17] : memref<20480xf32, #tpu.memory_space<hbm>> -> memref<640xf32, #tpu.memory_space<hbm>>
      %dma_wait3A_19 = tpu.memref_slice %arg8[%mul3A_12] : memref<10240xf32, #tpu.memory_space<vmem_shared>> -> memref<640xf32, #tpu.memory_space<vmem_shared>>
      tpu.wait_dma2 semaphore(%run_scoped3A : memref<!tpu.dma_semaphore, #tpu.memory_space<semaphore_mem>>) src(%dma_wait3A_19 : memref<640xf32, #tpu.memory_space<vmem_shared>>) dst(%dma_wait3A : memref<640xf32, #tpu.memory_space<hbm>>)
      tpu.yield
    }) : () -> ()
    return
  }
}

</mosaic_0001>

<sc_bundles>
// kernel: _sc_degree.3.cloned.1.call-start
scs
__scs_entry_jumppad:
0x0: {  	(pc) =	sbr.rel $0x88, $3  }
0x1: {  	(tag) =	ssettag $0x0;
	lr =	simm.s32 $0x1  }
0x2: {  	[smem:$0x3F9E] =	sst lr;
	_ =	strace $0xD0000000  }
0x3: {  	_ = 	snop  }
0x4: {  	_ = 	snop  }
0x5: {  	_ = 	snop  }
0x6: {  	_ = 	snop  }
0x7: {  	_ = 	snop  }
__scs_overlays_trampoline_lowered:
0x8: {  	[smem:$0x3FAD] =	sst s0  }
0x9: {  	[smem:$0x3FAE] =	sst s1  }
0xa: {  	[smem:$0x3FAF] =	sst s2  }
0xb: {  	[smem:$0x3FB0] =	sst s3  }
0xc: {  	[smem:$0x3FB1] =	sst s4  }
0xd: {  	[smem:$0x3FB2] =	sst s5  }
0xe: {  	[smem:$0x3FB3] =	sst s6  }
0xf: {  	[smem:$0x3FB4] =	sst s7  }
0x10: {  	[smem:$0x3FB5] =	sst s8  }
0x11: {  	[smem:$0x3FB6] =	sst s9;
	s0 =	simm.s32 @!p0 $0x0  }
0x12: {  	s1 =	sld [smem:$0x3F9C];
	s0 =	simm.s32 @p0 $0x1  }
0x13: {  	[smem:$0x3FB7] =	sst s0;
	s0 =	simm.s32 @!p1 $0x0  }
0x14: {  	s2 =	sld [smem:$0x3F9B];
	s0 =	simm.s32 @p1 $0x1  }
0x15: {  	[smem:$0x3FB8] =	sst s0;
	s0 =	simm.s32 @!p2 $0x0  }
0x16: {  	s3 =	sld [smem:$0x3FDB];
	s0 =	simm.s32 @p2 $0x1  }
0x17: {  	s4 =	simm.s32 $0x1BF5;
	[smem:$0x3FBA] =	sst s0  }
0x18: {  	s0 =	sld [smem:$0x3F9D];
	_ =	swait.ge [sflag:s4], $0x0  }
0x19: {  	s7 =	sld [smem:$0x3F9E]  }
0x1a: {  	s8 =	sadd.s32 $0xFFFFE003, lr  }
0x1b: {  	s9 =	sadd.s32 $0xFFFFFEF7, lr;
	s5 =	simm.s32 $0xFFFFFFFF;
	p2 =	slt.u32 s8, $0xFFFFF086  }
0x1c: {  	p1 =	slt.u32 s9, $0xF7A;
	s5 =	simm.s32 @!p2 $0x0  }
0x1d: {  	s5 =	simm.s32 @p1 $0x1;
	p0 =	seq.s32 s7, s2  }
0x1e: {  	s7 =	smul.u32 @!p0 $0xF7A, s2;
	p2 =	seq.s32 @!p0 s5, $0x0  }
0x1f: {  	s9 =	smul.u32 $0xF7A, s1;
	s8 =	simm.s32 @!p0 $0x1BF5;
	p2 =	por !p2, p0  }
0x20: {  	[sflag:s8] =	ssyncset.s32 @!p0 $0xFFFFF086;
	s6 =	sadd.s32 @!p0 s3, s7;
	s7 =	simm.s32 @!p0 $0x108  }
0x21: {  	s3 =	sadd.s32 s3, s9;
	s6 =	sadd.s32 @!p0 $0x88, s6;
	s7 =	simm.s32 @p2 $0x1082  }
0x22: {  	[simem:s7], [sflag:s8] =	dma.local @!p0 [hbm:s6], $0xF7A  }
0x23: {  	s9 =	sor.u32 $0xD0000000, s2;
	s6 =	simm.s32 $0x108;
	_ =	swait.ge @!p0 [sflag:s8], $0x0  }
0x24: {  	s3 =	sadd.s32 $0x88, s3;
	s6 =	simm.s32 @!p1 $0x1082;
	[sflag:s4] =	ssyncset.s32 $0xFFFFF086  }
0x25: {  	[simem:s6], [sflag:s4] =	dma.local [hbm:s3], $0xF7A  }
0x26: {  	[smem:$0x3F9E] =	sst s1;
	(tag) =	ssettag s2;
	_ =	strace s9  }
0x27: {  	s1 =	sld [smem:$0x3FAE]  }
0x28: {  	s2 =	sld [smem:$0x3FAF]  }
0x29: {  	s4 =	sld [smem:$0x3FB1]  }
0x2a: {  	p0 =	seq.s32 s5, $0x0;
	s5 =	sld [smem:$0x3FB2]  }
0x2b: {  	s6 =	sld [smem:$0x3FB3]  }
0x2c: {  	s7 =	sld [smem:$0x3FB4]  }
0x2d: {  	s3 =	simm.s32 $0x108;
	s8 =	sld [smem:$0x3FB5]  }
0x2e: {  	s3 =	simm.s32 @!p0 $0x1082;
	s9 =	sld [smem:$0x3FB6]  }
0x2f: {  	lr =	sadd.s32 s0, s3;
	s0 =	sld [smem:$0x3FAD]  }
0x30: {  	s3 =	sld [smem:$0x3FB0]  }
0x31: {  	[smem:$0x3FB9] =	sst s10  }
0x32: {  	s10 =	sld [smem:$0x3FB7];
	_ =	sdelay $0x3  }
0x33: {  	p0 =	seq.s32 s10, $0x1;
	s10 =	sld [smem:$0x3FB9];
	_ =	sdelay $0x3  }
0x34: {  	[smem:$0x3FB9] =	sst s10  }
0x35: {  	s10 =	sld [smem:$0x3FB8];
	_ =	sdelay $0x3  }
0x36: {  	p1 =	seq.s32 s10, $0x1;
	s10 =	sld [smem:$0x3FB9];
	_ =	sdelay $0x3  }
0x37: {  	[smem:$0x3FB9] =	sst s10  }
0x38: {  	s10 =	sld [smem:$0x3FBA]  }
0x39: {  	_ = 	snop;
	(pc) =	sbr.ind lr, $3  }
0x3a: {  	_ = 	snop  }
0x3b: {  	_ = 	snop  }
0x3c: {  	p2 =	seq.s32 s10, $0x1;
	s10 =	sld [smem:$0x3FB9]  }
0x3d: {  	_ =	shalt  }
0x3e: {  	_ =	shalt  }
0x3f: {  	_ =	shalt  }
0x40: {  	_ =	shalt  }
0x41: {  	_ =	shalt  }
0x42: {  	_ =	shalt  }
0x43: {  	_ =	shalt  }
0x44: {  	_ =	shalt  }
0x45: {  	_ =	shalt  }
0x46: {  	_ =	shalt  }
0x47: {  	_ =	shalt  }
0x48: {  	_ =	shalt  }
0x49: {  	_ =	shalt  }
0x4a: {  	_ =	shalt  }
0x4b: {  	_ =	shalt  }
0x4c: {  	_ =	shalt  }
0x4d: {  	_ =	shalt  }
0x4e: {  	_ =	shalt  }
0x4f: {  	_ =	shalt  }
0x50: {  	_ =	shalt  }
0x51: {  	_ =	shalt  }
0x52: {  	_ =	shalt  }
0x53: {  	_ =	shalt  }
0x54: {  	_ =	shalt  }
0x55: {  	_ =	shalt  }
0x56: {  	_ =	shalt  }
0x57: {  	_ =	shalt  }
0x58: {  	_ =	shalt  }
0x59: {  	_ =	shalt  }
0x5a: {  	_ =	shalt  }
0x5b: {  	_ =	shalt  }
0x5c: {  	_ =	shalt  }
0x5d: {  	_ =	shalt  }
0x5e: {  	_ =	shalt  }
0x5f: {  	_ =	shalt  }
0x60: {  	_ =	shalt  }
0x61: {  	_ =	shalt  }
0x62: {  	_ =	shalt  }
0x63: {  	_ =	shalt  }
0x64: {  	_ =	shalt  }
0x65: {  	_ =	shalt  }
0x66: {  	_ =	shalt  }
0x67: {  	_ =	shalt  }
0x68: {  	_ =	shalt  }
0x69: {  	_ =	shalt  }
0x6a: {  	_ =	shalt  }
0x6b: {  	_ =	shalt  }
0x6c: {  	_ =	shalt  }
0x6d: {  	_ =	shalt  }
0x6e: {  	_ =	shalt  }
0x6f: {  	_ =	shalt  }
0x70: {  	_ =	shalt  }
0x71: {  	_ =	shalt  }
0x72: {  	_ =	shalt  }
0x73: {  	_ =	shalt  }
0x74: {  	_ =	shalt  }
0x75: {  	_ =	shalt  }
0x76: {  	_ =	shalt  }
0x77: {  	_ =	shalt  }
0x78: {  	_ =	shalt  }
0x79: {  	_ =	shalt  }
0x7a: {  	_ =	shalt  }
0x7b: {  	_ =	shalt  }
0x7c: {  	_ =	shalt  }
0x7d: {  	_ =	shalt  }
0x7e: {  	_ =	shalt  }
0x7f: {  	_ =	shalt  }
0x80: {  	_ =	shalt  }
0x81: {  	_ =	shalt  }
0x82: {  	_ =	shalt  }
0x83: {  	_ =	shalt  }
0x84: {  	_ =	shalt  }
0x85: {  	_ =	shalt  }
0x86: {  	_ =	shalt  }
0x87: {  	_ =	shalt  }
.Lfunc_end0:
.L_simem_size_0:
called_computation_lowered:
.L_overlay_start_0:
0x88: {  	s2 =	sld [smem:$0x3FD9]  }
0x89: {  	s3 =	sld [smem:$0x3FFE];
	_ =	sdelay $0x1  }
0x8a: {  	s1 =	srdreg.scid  }
0x8b: {  	s0 =	sand.u32 $0x1, s1  }
0x8c: {  	s17 =	sshll.u32 s0, $0xA;
	s2 =	sadd.s32 s3, s2  }
0x8d: {  	s2 =	sadd.s32 s2, s17  }
0x8e: {  	[smem:$0x3FC5] =	sst s2  }
0x8f: {  	_ = 	snop  }
0x90: {  	s2 =	sld [smem:$0x3FC9]  }
0x91: {  	s18 =	sld [smem:$0x3FC8]  }
0x92: {  	s4 =	sld [smem:$0x3FD0];
	(tm) =	ssettm $0x1  }
0x93: {  	s5 =	sld [smem:$0x3FFB];
	_ =	sdelay $0x3  }
0x94: {  	_ =	strace s5  }
0x95: {  	s5 =	sld [smem:$0x3FFC];
	_ =	sdelay $0x3  }
0x96: {  	_ =	strace s5  }
0x97: {  	s5 =	sld [smem:$0x3FFD];
	_ =	sdelay $0x3  }
0x98: {  	_ =	strace s5  }
0x99: {  	_ =	strace $0x8FFFFFFF  }
0x9a: {  	s19 =	sld [smem:$0x3FDB];
	_ =	sdelay $0x1  }
0x9b: {  	s6 =	simm.s32 $_scs_section_size  }
0x9c: {  	s7 =	simm.s32 $_size__tile_overlayer_lowered;
	s8 =	simm.s32 $_tile_overlayer_lowered  }
0x9d: {  	s22 =	simm.s32 $0x1BFF;
	s21 =	sshll.u32 s8, $0x1;
	s5 =	sadd.s32 s6, s19  }
0x9e: {  	s9 =	simm.s32 $0x0;
	s20 =	sshll.u32 s7, $0x1;
	s7 =	sadd.s32 s21, s5  }
0x9f: {  	[timem:s9], [sflag:s22] =	dma.local [hbm:s7], s20  }
0xa0: {  	_ =	swait.ge [sflag:s22], s20  }
0xa1: {  	s6 =	ssub.s32 $0x0, s20;
	[sflag:s22] =	ssyncset.done $0x0  }
0xa2: {  	[sflag:s22] =	ssyncadd.s32 s6;
	_ =	sdelay $0x1  }
0xa3: {  	s23 =	simm.s32 $0x1B8B  }
0xa4: {  	_ =	swait.ge [sflag:s23], $0x1  }
0xa5: {  	[sflag:s23] =	ssyncset.done $0x0  }
0xa6: {  	s25 =	simm.s32 $0x1B8E;
	s24 =	sld [smem:$0x3FFE];
	[sflag:s23] =	ssyncadd.s32 $0xFFFFFFFF  }
0xa7: {  	s26 =	simm.s32 $execute0_lowered;
	[smem:$0x3FD2] =	sst s25  }
0xa8: {  	s7 =	sshll.u32 s26, $0x1;
	_ =	strace $0x80000046;
	[dreg:$0x1] =	wrdreg $0xFFFFFFFF  }
0xa9: {  	s28 =	simm.s32 $_size_execute0_lowered;
	s5 =	sadd.s32 s5, s7;
	[dreg:$0x0] =	wrdreg $0x0  }
0xaa: {  	s7 =	sshll.u32 s28, $0x1;
	[dreg:$0x2] =	wrdreg s5  }
0xab: {  	[dreg:$0x3] =	wrdreg s7  }
0xac: {  	[dreg:$0x4] =	wrdreg $0xC0  }
0xad: {  	_ =	task [dreg:s9], $0x5FFFF  }
0xae: {  	[dreg:$0x1] =	wrdreg $0xFFFFFFFF  }
0xaf: {  	[dreg:$0x0] =	wrdreg $0x60  }
0xb0: {  	[dreg:$0x2] =	wrdreg s2  }
0xb1: {  	[dreg:$0x3] =	wrdreg s18  }
0xb2: {  	[dreg:$0x4] =	wrdreg s24  }
0xb3: {  	[dreg:$0x5] =	wrdreg s4  }
0xb4: {  	[dreg:$0x6] =	wrdreg $0x2C800  }
0xb5: {  	[dreg:$0x7] =	wrdreg $0x9  }
0xb6: {  	_ =	task.clear_ibuf [dreg:s9], $0x8FFFF;
	_ =	strace $0x90000046  }
0xb7: {  	s29 =	simm.s32 $0x9;
	_ =	strace $0x80000048  }
0xb8: {  	_ =	swait.ge [sflag:s29], $0x1  }
0xb9: {  	[sflag:s29] =	ssyncadd.s32 $0xFFFFFFFF  }
0xba: {  	_ =	strace $0x90000048  }
0xbb: {  	_ =	sfence  }
0xbc: {  	s30 =	sld [smem:$0x0];
	_ =	sdelay $0x2  }
0xbd: {  	s31 =	sshll.u32 s1, $0xD;
	s1 =	sshrl.u32 s1, $0x2  }
0xbe: {  	s3 =	sand.u32 $0x4000, s31;
	s1 =	sadd.s32 s1, s30  }
0xbf: {  	s0 =	sor.u32 s3, s0;
	s1 =	sshll.u32 s1, $0x11  }
0xc0: {  	s0 =	sor.u32 s1, s0  }
0xc1: {  	s0 =	sadd.s32 $0x8F2B, s0  }
0xc2: {  	[sflag:s0] =	ssyncadd.remote.s32 $0x1  }
0xc3: {  	_ =	sfence.sel $0xFFFF  }
0xc4: {  	[dreg:$0x0] =	wrdreg $0xFFFFFFFF;
	(pc) =	sbr.abs _section_cstart, $3  }
0xc5: {  	[dreg:$0x1] =	wrdreg $0xFFFFFFFF  }
0xc6: {  	_ =	task.clear_ibuf [dreg:s9], $0x2FFFF;
	_ =	strace $0x9FFFFFFF  }
0xc7: {  	(tm) =	ssettm $0x7FFFFFFF  }
tec
execute0_lowered:
.L_overlay_start_1:
0x0: {  	(tag) =	ssettag $0x1  }
0x1: {  	s6 =	rddreg [dreg:$0x0]  }
0x2: {  	s1 =	rddreg [dreg:$0x1]  }
0x3: {  	s5 =	rddreg [dreg:$0x2]  }
0x4: {  	s2 =	srdreg.scid;
	s8 =	rddreg [dreg:$0x3]  }
0x5: {  	s0 =	stileid.u32;
	s3 =	rddreg [dreg:$0x4]  }
0x6: {  	s4 =	simm.s32 $0x0;
	s13 =	simm.s32 $0x80;
	s14 =	simm.s32 $0x1  }
0x7: {  	s15 =	simm.s32 $0x0;
	s7 =	sand.u32 $0x1, s2;
	s26 =	sshll.u32 s0, $0x1  }
0x8: {  	s10 =	smul.u32 $0x280, s0;
	[smem:$0x7FF] =	sst s4;
	s31 =	sshll.u32 s0, $0x6  }
0x9: {  	s2 =	sor.u32 s7, s26;
	s11 =	ssub.s32 $0x2, s7;
	s7 =	smul.u32 $0x2800, s7  }
0xa: {  	s9 =	smul.u32 $0x580, s2;
	s2 =	rddreg [dreg:$0x5];
	_ =	strace $0x80000047  }
0xb: {  	s12 =	sshrl.u32 s11, $0x1;
	s29 =	sshrl.u32 s10, $0x3;
	s30 =	sadd.s32 s10, s3  }
0xc: {  	s28 =	ssub.s32 s11, s12;
	s7 =	sadd.s32 s10, s7;
	s6 =	sadd.s32 s6, s29  }
0xd: {  	s10 =	simm.s32 $0x2C00;
	s11 =	sor.u32 $0x1C02, s31;
	s12 =	sshrl.u32 s30, $0x3  }
0xe: {  	s5 =	sadd.s32 s9, s5;
	s7 =	sshrl.u32 s7, $0x3;
	s9 =	simm.s32 $0x2  }
0xf: {  	s5 =	sadd.s32 $0x400, s5;
	s7 =	sadd.s32 s8, s7;
	s8 =	smax.u32 s28, $0x1  }
.LBB2_1:
0x10: {  	[tilespmem:s4], [sflag:$0x2] =	stream.linear.gather [hbm4b:s5+s4], $0x2900, $0x38;
	[tilespmem:$0x2F00] =	vst v63  }
0x11: {  	_ =	swait.ge [sflag:s9], $0x2900  }
0x12: {  	[sflag:s9] =	ssyncset.done $0x0  }
0x13: {  	[sflag:s9] =	ssyncadd.s32 $0xFFFFD700  }
0x14: {  	[tilespmem:s10], [sflag:$0x2] =	stream.linear.gather [hbm4b:s1+s4], $0x80, $0x38;
	[tilespmem:$0x2F00] =	vst v63  }
0x15: {  	_ =	swait.ge [sflag:s9], $0x80  }
0x16: {  	[sflag:s9] =	ssyncset.done $0x0  }
0x17: {  	[sflag:s9] =	ssyncadd.s32 $0xFFFFFF80  }
0x18: {  	[spmem:s12], [sflag:s11] =	dma.local [hbm:s6], $0x50  }
0x19: {  	_ =	swait.ge [sflag:s9], $0x50  }
0x1a: {  	[sflag:s9] =	ssyncset.done $0x0  }
0x1b: {  	[sflag:s9] =	ssyncadd.s32 $0xFFFFFFB0  }
0x1c: {  	s16 =	simm.s32 $0x0;
	[bflag:$0x0] =	sbarrier.arrive $0xFFFF  }
0x1d: {  	[spmem:s3] =	stream.indirect.scatter.add.f32 [tilespmem:s10], [sflag:$0x1], $0x1, s16, s13, $0xb8;
	[tilespmem:$0x2F00] =	vst v63  }
0x1e: {  	s24 =	simm.s32 $0x80  }
0x1f: {  	[spmem:s3] =	stream.indirect.scatter.add.f32 [tilespmem:s10], [sflag:$0x1], $0x1, s24, s13, $0xb8;
	[tilespmem:$0x2F00] =	vst v63  }
0x20: {  	s25 =	simm.s32 $0x100  }
0x21: {  	[spmem:s3] =	stream.indirect.scatter.add.f32 [tilespmem:s10], [sflag:$0x1], $0x1, s25, s13, $0xb8;
	[tilespmem:$0x2F00] =	vst v63  }
0x22: {  	s26 =	simm.s32 $0x180  }
0x23: {  	[spmem:s3] =	stream.indirect.scatter.add.f32 [tilespmem:s10], [sflag:$0x1], $0x1, s26, s13, $0xb8;
	[tilespmem:$0x2F00] =	vst v63  }
0x24: {  	s28 =	simm.s32 $0x200  }
0x25: {  	[spmem:s3] =	stream.indirect.scatter.add.f32 [tilespmem:s10], [sflag:$0x1], $0x1, s28, s13, $0xb8;
	[tilespmem:$0x2F00] =	vst v63  }
0x26: {  	s29 =	simm.s32 $0x280  }
0x27: {  	[spmem:s3] =	stream.indirect.scatter.add.f32 [tilespmem:s10], [sflag:$0x1], $0x1, s29, s13, $0xb8;
	[tilespmem:$0x2F00] =	vst v63  }
0x28: {  	s30 =	simm.s32 $0x300  }
0x29: {  	[spmem:s3] =	stream.indirect.scatter.add.f32 [tilespmem:s10], [sflag:$0x1], $0x1, s30, s13, $0xb8;
	[tilespmem:$0x2F00] =	vst v63  }
0x2a: {  	s31 =	simm.s32 $0x380  }
0x2b: {  	[spmem:s3] =	stream.indirect.scatter.add.f32 [tilespmem:s10], [sflag:$0x1], $0x1, s31, s13, $0xb8;
	[tilespmem:$0x2F00] =	vst v63  }
0x2c: {  	_ =	swait.ge [sflag:s14], $0x80  }
0x2d: {  	[sflag:s14] =	ssyncset.done $0x0  }
0x2e: {  	[sflag:s14] =	ssyncadd.s32 $0xFFFFFF80  }
0x2f: {  	_ =	swait.ge [sflag:s14], $0x80  }
0x30: {  	[sflag:s14] =	ssyncset.done $0x0  }
0x31: {  	[sflag:s14] =	ssyncadd.s32 $0xFFFFFF80  }
0x32: {  	_ =	swait.ge [sflag:s14], $0x80  }
0x33: {  	[sflag:s14] =	ssyncset.done $0x0  }
0x34: {  	[sflag:s14] =	ssyncadd.s32 $0xFFFFFF80  }
0x35: {  	_ =	swait.ge [sflag:s14], $0x80  }
0x36: {  	[sflag:s14] =	ssyncset.done $0x0  }
0x37: {  	[sflag:s14] =	ssyncadd.s32 $0xFFFFFF80  }
0x38: {  	_ =	swait.ge [sflag:s14], $0x80  }
0x39: {  	[sflag:s14] =	ssyncset.done $0x0  }
0x3a: {  	[sflag:s14] =	ssyncadd.s32 $0xFFFFFF80  }
0x3b: {  	_ =	swait.ge [sflag:s14], $0x80  }
0x3c: {  	[sflag:s14] =	ssyncset.done $0x0  }
0x3d: {  	[sflag:s14] =	ssyncadd.s32 $0xFFFFFF80  }
0x3e: {  	_ =	swait.ge [sflag:s14], $0x80  }
0x3f: {  	[sflag:s14] =	ssyncset.done $0x0  }
0x40: {  	[sflag:s14] =	ssyncadd.s32 $0xFFFFFF80  }
0x41: {  	_ =	swait.ge [sflag:s14], $0x80  }
0x42: {  	s18 =	simm.s32 $0x2000;
	s16 =	simm.s32 $0x1000;
	[sflag:s14] =	ssyncset.done $0x0  }
.LBB2_2:
0x43: {  	s19 =	sshra.s32 s16, $0x2  }
0x44: {  	[sflag:s14] =	ssyncadd.s32 $0xFFFFFF80;
	s16 =	smov.u32 s18;
	s17 =	sadd.s32 $0x1000, s18  }
0x45: {  	[spmem:s3] =	stream.indirect.scatter.add.f32 [tilespmem:s10], [sflag:$0x1], $0x1, s19, s13, $0xb8;
	[tilespmem:$0x2F00] =	vst v63  }
0x46: {  	p0 =	sne.s32 s18, $0x9000;
	s18 =	sadd.s32 $0x80, s19  }
0x47: {  	[spmem:s3] =	stream.indirect.scatter.add.f32 [tilespmem:s10], [sflag:$0x1], $0x1, s18, s13, $0xb8;
	[tilespmem:$0x2F00] =	vst v63  }
0x48: {  	s18 =	sadd.s32 $0x100, s19  }
0x49: {  	[spmem:s3] =	stream.indirect.scatter.add.f32 [tilespmem:s10], [sflag:$0x1], $0x1, s18, s13, $0xb8;
	[tilespmem:$0x2F00] =	vst v63  }
0x4a: {  	s18 =	sadd.s32 $0x180, s19  }
0x4b: {  	[spmem:s3] =	stream.indirect.scatter.add.f32 [tilespmem:s10], [sflag:$0x1], $0x1, s18, s13, $0xb8;
	[tilespmem:$0x2F00] =	vst v63  }
0x4c: {  	s18 =	sadd.s32 $0x200, s19  }
0x4d: {  	[spmem:s3] =	stream.indirect.scatter.add.f32 [tilespmem:s10], [sflag:$0x1], $0x1, s18, s13, $0xb8;
	[tilespmem:$0x2F00] =	vst v63  }
0x4e: {  	s18 =	sadd.s32 $0x280, s19  }
0x4f: {  	[spmem:s3] =	stream.indirect.scatter.add.f32 [tilespmem:s10], [sflag:$0x1], $0x1, s18, s13, $0xb8;
	[tilespmem:$0x2F00] =	vst v63  }
0x50: {  	s18 =	sadd.s32 $0x300, s19  }
0x51: {  	[spmem:s3] =	stream.indirect.scatter.add.f32 [tilespmem:s10], [sflag:$0x1], $0x1, s18, s13, $0xb8;
	[tilespmem:$0x2F00] =	vst v63  }
0x52: {  	s18 =	sadd.s32 $0x380, s19  }
0x53: {  	[spmem:s3] =	stream.indirect.scatter.add.f32 [tilespmem:s10], [sflag:$0x1], $0x1, s18, s13, $0xb8;
	[tilespmem:$0x2F00] =	vst v63  }
0x54: {  	_ =	swait.ge [sflag:s14], $0x80  }
0x55: {  	[sflag:s14] =	ssyncset.done $0x0  }
0x56: {  	[sflag:s14] =	ssyncadd.s32 $0xFFFFFF80  }
0x57: {  	_ =	swait.ge [sflag:s14], $0x80  }
0x58: {  	[sflag:s14] =	ssyncset.done $0x0  }
0x59: {  	[sflag:s14] =	ssyncadd.s32 $0xFFFFFF80  }
0x5a: {  	_ =	swait.ge [sflag:s14], $0x80  }
0x5b: {  	[sflag:s14] =	ssyncset.done $0x0  }
0x5c: {  	[sflag:s14] =	ssyncadd.s32 $0xFFFFFF80  }
0x5d: {  	_ =	swait.ge [sflag:s14], $0x80  }
0x5e: {  	[sflag:s14] =	ssyncset.done $0x0  }
0x5f: {  	[sflag:s14] =	ssyncadd.s32 $0xFFFFFF80  }
0x60: {  	_ =	swait.ge [sflag:s14], $0x80  }
0x61: {  	[sflag:s14] =	ssyncset.done $0x0  }
0x62: {  	[sflag:s14] =	ssyncadd.s32 $0xFFFFFF80  }
0x63: {  	_ =	swait.ge [sflag:s14], $0x80  }
0x64: {  	[sflag:s14] =	ssyncset.done $0x0  }
0x65: {  	[sflag:s14] =	ssyncadd.s32 $0xFFFFFF80  }
.Ltmp0:
0x66: {  	_ =	swait.ge [sflag:s14], $0x80;
	(pc) =	sbr.rel @p0 .LBB2_2-.Ltmp0, $4  }
0x67: {  	[sflag:s14] =	ssyncset.done $0x0  }
0x68: {  	[sflag:s14] =	ssyncadd.s32 $0xFFFFFF80  }
0x69: {  	_ =	swait.ge [sflag:s14], $0x80  }
0x6a: {  	s18 =	smov.u32 s17;
	[sflag:s14] =	ssyncset.done $0x0  }
0x6b: {  	s16 =	sshra.s32 s16, $0x2;
	[sflag:s14] =	ssyncadd.s32 $0xFFFFFF80  }
0x6c: {  	[spmem:s3] =	stream.indirect.scatter.add.f32 [tilespmem:s10], [sflag:$0x1], $0x1, s16, s13, $0xb8;
	[tilespmem:$0x2F00] =	vst v63  }
0x6d: {  	s17 =	sadd.s32 $0x80, s16  }
0x6e: {  	[spmem:s3] =	stream.indirect.scatter.add.f32 [tilespmem:s10], [sflag:$0x1], $0x1, s17, s13, $0xb8;
	[tilespmem:$0x2F00] =	vst v63  }
0x6f: {  	s26 =	sadd.s32 $0x100, s16  }
0x70: {  	[spmem:s3] =	stream.indirect.scatter.add.f32 [tilespmem:s10], [sflag:$0x1], $0x1, s26, s13, $0xb8;
	[tilespmem:$0x2F00] =	vst v63  }
0x71: {  	s28 =	sadd.s32 $0x180, s16  }
0x72: {  	[spmem:s3] =	stream.indirect.scatter.add.f32 [tilespmem:s10], [sflag:$0x1], $0x1, s28, s13, $0xb8;
	[tilespmem:$0x2F00] =	vst v63  }
0x73: {  	s29 =	sadd.s32 $0x200, s16  }
0x74: {  	[spmem:s3] =	stream.indirect.scatter.add.f32 [tilespmem:s10], [sflag:$0x1], $0x1, s29, s13, $0xb8;
	[tilespmem:$0x2F00] =	vst v63  }
0x75: {  	s30 =	sadd.s32 $0x280, s16  }
0x76: {  	[spmem:s3] =	stream.indirect.scatter.add.f32 [tilespmem:s10], [sflag:$0x1], $0x1, s30, s13, $0xb8;
	[tilespmem:$0x2F00] =	vst v63  }
0x77: {  	s31 =	sadd.s32 $0x300, s16  }
0x78: {  	[spmem:s3] =	stream.indirect.scatter.add.f32 [tilespmem:s10], [sflag:$0x1], $0x1, s31, s13, $0xb8;
	[tilespmem:$0x2F00] =	vst v63  }
0x79: {  	s16 =	sadd.s32 $0x380, s16  }
0x7a: {  	[spmem:s3] =	stream.indirect.scatter.add.f32 [tilespmem:s10], [sflag:$0x1], $0x1, s16, s13, $0xb8;
	[tilespmem:$0x2F00] =	vst v63  }
0x7b: {  	_ =	swait.ge [sflag:s14], $0x80  }
0x7c: {  	[sflag:s14] =	ssyncset.done $0x0  }
0x7d: {  	[sflag:s14] =	ssyncadd.s32 $0xFFFFFF80  }
0x7e: {  	_ =	swait.ge [sflag:s14], $0x80  }
0x7f: {  	[sflag:s14] =	ssyncset.done $0x0  }
0x80: {  	[sflag:s14] =	ssyncadd.s32 $0xFFFFFF80  }
0x81: {  	_ =	swait.ge [sflag:s14], $0x80  }
0x82: {  	[sflag:s14] =	ssyncset.done $0x0  }
0x83: {  	[sflag:s14] =	ssyncadd.s32 $0xFFFFFF80  }
0x84: {  	_ =	swait.ge [sflag:s14], $0x80  }
0x85: {  	[sflag:s14] =	ssyncset.done $0x0  }
0x86: {  	[sflag:s14] =	ssyncadd.s32 $0xFFFFFF80  }
0x87: {  	_ =	swait.ge [sflag:s14], $0x80  }
0x88: {  	[sflag:s14] =	ssyncset.done $0x0  }
0x89: {  	[sflag:s14] =	ssyncadd.s32 $0xFFFFFF80  }
0x8a: {  	_ =	swait.ge [sflag:s14], $0x80  }
0x8b: {  	[sflag:s14] =	ssyncset.done $0x0  }
0x8c: {  	[sflag:s14] =	ssyncadd.s32 $0xFFFFFF80  }
0x8d: {  	_ =	swait.ge [sflag:s14], $0x80  }
0x8e: {  	[sflag:s14] =	ssyncset.done $0x0  }
0x8f: {  	[sflag:s14] =	ssyncadd.s32 $0xFFFFFF80  }
0x90: {  	_ =	swait.ge [sflag:s14], $0x80  }
0x91: {  	s15 =	sadd.s32 $0x1, s15;
	[sflag:s14] =	ssyncset.done $0x0  }
0x92: {  	p0 =	sne.s32 s15, s8;
	[sflag:s14] =	ssyncadd.s32 $0xFFFFFF80  }
.Ltmp1:
0x93: {  	[bflag:$0x0] =	sbarrier.arrive $0xFFFF;
	(pc) =	sbr.rel @p0 .LBB2_1-.Ltmp1, $4  }
0x94: {  	[hbm:s7], [sflag:s11] =	dma.local [spmem:s12], $0x50  }
0x95: {  	_ =	swait.ge [sflag:s9], $0x50  }
0x96: {  	[sflag:s9] =	ssyncset.done $0x0  }
0x97: {  	[sflag:s9] =	ssyncadd.s32 $0xFFFFFFB0  }
0x98: {  	_ =	sfence.sel $0x180000  }
0x99: {  	[bflag:$0x0] =	sbarrier.arrive $0xFFFF  }
0x9a: {  	p0 =	sne.s32 s0, $0x0;
	_ =	strace $0x90000047  }
0x9b: {  	s0 =	sadd.s32 @!p0 $0x100000, s2;
	[bflag:$0x2] =	sbarrier.arrive $0xFFFF  }
0x9c: {  	[sflag:s0] =	ssyncadd.tile.s32 @!p0 $0x1;
	_ =	shalt  }
.Lfunc_end2:
_tile_overlayer_lowered:
.L_overlay_start_2:
0x9d: {  	(tag) =	ssettag $0x2  }
0x9e: {  	s0 =	rddreg [dreg:$0x0];
	s2 =	stileid.u32  }
0x9f: {  	s1 =	rddreg [dreg:$0x1];
	p0 =	sne.s32 s2, $0x0  }
0xa0: {  	s3 =	rddreg [dreg:$0x2];
	[bflag:$0x3] =	sbarrier.arrive $0xFFFF;
	s2 =	simm.s32 @!p0 $0x1C02  }
0xa1: {  	[timem:s3], [sflag:s2] =	dma.local @!p0 [hbm:s0], s1  }
0xa2: {  	s0 =	simm.s32 @!p0 $0x2  }
0xa3: {  	_ =	swait.ge @!p0 [sflag:s0], s1  }
0xa4: {  	s1 =	ssub.s32 @!p0 $0x0, s1;
	[sflag:s0] =	ssyncset.done @!p0 $0x0  }
0xa5: {  	[sflag:s0] =	ssyncadd.s32 @!p0 s1  }
0xa6: {  	[bflag:$0x3] =	sbarrier.arrive $0xFFFF  }
0xa7: {  	_ =	shalt  }

</sc_bundles>
